<compile_context>
chip_gen: v7x
topology: tpu7x:2x2x1
jax: 0.10.2.dev20260603
libtpu: 0.0.44.dev20260713+nightly
codegen_flags: <defaults>
</compile_context>

<pallas_src>
import functools

import jax
import jax.numpy as jnp
from jax import lax
from jax.experimental import pallas as pl
from jax.experimental.pallas import tpu as pltpu
from jax.experimental.pallas import tpu_sc as plsc

B = 4096
D = 64
V = 100000
_PACK_C = 8192


_NBLK = -(-V // _PACK_C)
_VPAD = _NBLK * (_PACK_C // 2)


def _pack_body(t_ref, eye_ref, o_ref):
    x = t_ref[...]
    h = _PACK_C // 2
    col = pl.program_id(0) * _PACK_C + lax.broadcasted_iota(
        jnp.int32, (D, _PACK_C), 1)
    x = jnp.where(col < V, x, 0.0)
    xs = jnp.concatenate([x[:, :h], x[:, h:]], axis=0)
    o_ref[...] = lax.dot_general(xs, eye_ref[...], (((0,), (0,)), ((), ())))


def _pack(table_t, eye):
    return pl.pallas_call(
        _pack_body,
        grid=(_NBLK,),
        in_specs=[
            pl.BlockSpec((D, _PACK_C), lambda k: (0, k)),
            pl.BlockSpec((2 * D, 2 * D), lambda k: (0, 0)),
        ],
        out_specs=pl.BlockSpec((_PACK_C // 2, 2 * D), lambda k: (k, 0)),
        out_shape=jax.ShapeDtypeStruct((_VPAD, 2 * D), jnp.float32),
    )(table_t, eye)


def _row_half(idx):
    half = _PACK_C // 2
    row = (idx // _PACK_C) * half + (idx % half)
    return row, ((idx % _PACK_C) // half).astype(jnp.float32)


@functools.lru_cache(maxsize=None)
def _build_sc_gather():
    info = plsc.get_sparse_core_info()
    nc, ns = info.num_cores, info.num_subcores
    nw = nc * ns
    b_per_w = B // nw

    mesh = plsc.VectorSubcoreMesh(core_axis_name="c", subcore_axis_name="s")

    @functools.partial(
        pl.kernel,
        mesh=mesh,
        out_type=jax.ShapeDtypeStruct((B, 2 * D), jnp.float32),
        scratch_types=[
            pltpu.VMEM((b_per_w,), jnp.int32),
            pltpu.VMEM((b_per_w, 2 * D), jnp.float32),
            pltpu.SemaphoreType.DMA,
        ],
    )
    def gather_kernel(idx_hbm, tab_hbm, rows_out, idx_v, rows_v, sem):
        wid = lax.axis_index("s") * nc + lax.axis_index("c")
        base = wid * b_per_w
        pltpu.sync_copy(idx_hbm.at[pl.ds(base, b_per_w)], idx_v)
        pltpu.async_copy(tab_hbm.at[idx_v], rows_v, sem).wait()
        pltpu.sync_copy(rows_v, rows_out.at[pl.ds(base, b_per_w)])

    return gather_kernel


def _dense_body(ua_ref, ub_ref, va_ref, vb_ref, pu_ref, pv_ref, o_ref):
    pu = pu_ref[...]
    pv = pv_ref[...]
    ut = ua_ref[...] * (1.0 - pu) + ub_ref[...] * pu
    vt = va_ref[...] * (1.0 - pv) + vb_ref[...] * pv
    x = ut[:, None, :] * vt[None, :, :]
    o_ref[...] = 0.5 * jnp.tanh(0.5 * x) + 0.5


def kernel(inputs, user_table, item_table):
    u_idx = inputs[:, 0]
    i_idx = inputs[:, 1]
    u_row, pu = _row_half(u_idx)
    i_row, pv = _row_half(i_idx)
    pu = pu.reshape(1, B)
    pv = pv.reshape(1, B)

    eye = jnp.eye(2 * D, dtype=jnp.float32)
    gather = _build_sc_gather()
    utab2 = _pack(user_table.T, eye)
    u_wide = gather(u_row, utab2)
    itab2 = _pack(item_table.T, eye)
    uw_t = u_wide.T
    i_wide = gather(i_row, itab2)
    vw_t = i_wide.T

    bi = 8
    out_t = pl.pallas_call(
        _dense_body,
        grid=(D // bi,),
        in_specs=[
            pl.BlockSpec((bi, B), lambda k: (k, 0)),
            pl.BlockSpec((bi, B), lambda k: (k + D // bi, 0)),
            pl.BlockSpec((D, B), lambda k: (0, 0)),
            pl.BlockSpec((D, B), lambda k: (1, 0)),
            pl.BlockSpec((1, B), lambda k: (0, 0)),
            pl.BlockSpec((1, B), lambda k: (0, 0)),
        ],
        out_specs=pl.BlockSpec((bi, D, B), lambda k: (k, 0, 0)),
        out_shape=jax.ShapeDtypeStruct((D, D, B), jnp.float32),
    )(uw_t, uw_t, vw_t, vw_t, pu, pv)
    return jnp.transpose(out_t, (2, 0, 1))

# --- scband reference (transcript-rebuilt; emitter-appended) ---
"""Pipeline reference for scband-matrix-factorization-49641232007679 (READ-ONLY COPY).

The authoritative reference and input builder live on the scoring server;
editing this copy changes nothing except your own understanding.
"""

import jax, jax.numpy as jnp
import numpy as np

NUM_USERS = 100000
NUM_ITEMS = 100000
LATENT_DIM = 64
BATCH = 4096

def setup_inputs(seed: int = 0) -> dict:
    key = jax.random.key(seed)
    k1, k2, k3 = jax.random.split(key, 3)
    inputs = jax.random.randint(k1, (BATCH, 2), 0, NUM_USERS, dtype=jnp.int64 if jax.config.jax_enable_x64 else jnp.int32)
    user_table = jax.random.normal(k2, (NUM_USERS, LATENT_DIM), dtype=jnp.float32) * 0.05
    item_table = jax.random.normal(k3, (NUM_ITEMS, LATENT_DIM), dtype=jnp.float32) * 0.05
    return {"inputs": inputs, "user_table": user_table, "item_table": item_table}

def reference(inputs, user_table, item_table):
    # user_embed: Embedding lookup of column 0 -> [B, 1, d]
    user_embed = jnp.take(user_table, inputs[:, 0:1], axis=0)
    # item_embed: Embedding lookup of columns 1: -> [B, 1, d]
    item_embed = jnp.take(item_table, inputs[:, 1:], axis=0)
    # tf.matmul(user_embed, item_embed, transpose_a=True) -> [B, d, 1] @ [B, 1, d] = [B, d, d]
    x = jnp.matmul(jnp.swapaxes(user_embed, -1, -2), item_embed)
    # inputs.shape[1] == 2 here, so the BPR subtraction branch is not taken
    x = jax.nn.sigmoid(x)
    return x

if __name__ == "__main__":
    import jax
    _d = setup_inputs()
    print(jax.jit(kernel)(*tuple(_d.values())))

</pallas_src>

<mosaic_0001>
#map = affine_map<(d0, d1) -> (0)>
#map1 = affine_map<(d0, d1) -> (0, 0)>
module attributes {stable_mosaic.version = 14 : i64} {
  func.func @gather_kernel(%arg0: i32, %arg1: i32, %arg2: memref<4096xi32, #tpu.memory_space<hbm>>, %arg3: memref<53248x128xf32, #tpu.memory_space<hbm>>, %arg4: memref<4096x128xf32, #tpu.memory_space<hbm>>, %arg5: memref<128xi32, #tpu.memory_space<vmem>>, %arg6: memref<128x128xf32, #tpu.memory_space<vmem>>, %arg7: memref<!tpu.dma_semaphore, #tpu.memory_space<semaphore_mem>>) attributes {dimension_semantics = [#tpu.dimension_semantics<core_parallel>, #tpu.dimension_semantics<subcore_parallel>], iteration_bounds = array<i64: 2, 16>, scalar_prefetch = 0 : i64, scratch_operands = 3 : i64, tpu.core_type = #tpu.core_type<sc_vector_subcore>, window_params = [{transform_indices = #map}, {transform_indices = #map1}, {transform_indices = #map1}]} {
    %mul3A = arith.constant 2 : i32
    %mul3A_0 = arith.muli %arg1, %mul3A : i32
    %add3A = arith.addi %mul3A_0, %arg0 : i32
    %mul3A_1 = arith.constant 128 : i32
    %mul3A_2 = arith.muli %add3A, %mul3A_1 : i32
    "tpu.region"() ({
      %run_scoped3A = tpu.sem_alloc : memref<!tpu.dma_semaphore, #tpu.memory_space<semaphore_mem>>
      %dma_start3A_7 = tpu.memref_slice %arg2[%mul3A_2] : memref<4096xi32, #tpu.memory_space<hbm>> -> memref<128xi32, #tpu.memory_space<hbm>>
      %dma_start3A_8 = tpu.memref_slice %arg2[%mul3A_2] : memref<4096xi32, #tpu.memory_space<hbm>> -> memref<128xi32, #tpu.memory_space<hbm>>
      tpu.enqueue_dma source(%dma_start3A_8 : memref<128xi32, #tpu.memory_space<hbm>>) target(%arg5 : memref<128xi32, #tpu.memory_space<vmem>>) target_semaphore(%run_scoped3A : memref<!tpu.dma_semaphore, #tpu.memory_space<semaphore_mem>>)
      %dma_wait3A_9 = tpu.memref_slice %arg2[%mul3A_2] : memref<4096xi32, #tpu.memory_space<hbm>> -> memref<128xi32, #tpu.memory_space<hbm>>
      %dma_wait3A_10 = tpu.memref_slice %arg2[%mul3A_2] : memref<4096xi32, #tpu.memory_space<hbm>> -> memref<128xi32, #tpu.memory_space<hbm>>
      tpu.wait_dma2 semaphore(%run_scoped3A : memref<!tpu.dma_semaphore, #tpu.memory_space<semaphore_mem>>) src(%dma_wait3A_10 : memref<128xi32, #tpu.memory_space<hbm>>) dst(%arg5 : memref<128xi32, #tpu.memory_space<vmem>>)
      tpu.yield
    }) : () -> ()
    %dma_start3A = arith.constant 0 : i32
    %dma_start3A_3 = arith.constant 0 : i32
    %dma_start3A_4 = tpu.memref_slice %arg3[%dma_start3A, %dma_start3A_3] : memref<53248x128xf32, #tpu.memory_space<hbm>> -> memref<53248x128xf32, #tpu.memory_space<hbm>>
    tpu.enqueue_indirect_dma source(%dma_start3A_4 : memref<53248x128xf32, #tpu.memory_space<hbm>>) target(%arg6 : memref<128x128xf32, #tpu.memory_space<vmem>>) offsets(%arg5 : memref<128xi32, #tpu.memory_space<vmem>>) semaphore(%arg7 : memref<!tpu.dma_semaphore, #tpu.memory_space<semaphore_mem>>)
    %dma_wait3A = arith.constant 0 : i32
    %dma_wait3A_5 = arith.constant 0 : i32
    %dma_wait3A_6 = tpu.memref_slice %arg3[%dma_wait3A, %dma_wait3A_5] : memref<53248x128xf32, #tpu.memory_space<hbm>> -> memref<53248x128xf32, #tpu.memory_space<hbm>>
    tpu.wait_indirect_dma semaphore(%arg7 : memref<!tpu.dma_semaphore, #tpu.memory_space<semaphore_mem>>) src(%dma_wait3A_6 : memref<53248x128xf32, #tpu.memory_space<hbm>>) dst(%arg6 : memref<128x128xf32, #tpu.memory_space<vmem>>)
    "tpu.region"() ({
      %run_scoped3A = tpu.sem_alloc : memref<!tpu.dma_semaphore, #tpu.memory_space<semaphore_mem>>
      %dma_start3A_7 = arith.constant 0 : i32
      %dma_start3A_8 = tpu.memref_slice %arg4[%mul3A_2, %dma_start3A_7] : memref<4096x128xf32, #tpu.memory_space<hbm>> -> memref<128x128xf32, #tpu.memory_space<hbm>>
      %dma_start3A_9 = arith.constant 0 : i32
      %dma_start3A_10 = tpu.memref_slice %arg4[%mul3A_2, %dma_start3A_9] : memref<4096x128xf32, #tpu.memory_space<hbm>> -> memref<128x128xf32, #tpu.memory_space<hbm>>
      tpu.enqueue_dma source(%arg6 : memref<128x128xf32, #tpu.memory_space<vmem>>) target(%dma_start3A_10 : memref<128x128xf32, #tpu.memory_space<hbm>>) target_semaphore(%run_scoped3A : memref<!tpu.dma_semaphore, #tpu.memory_space<semaphore_mem>>)
      %dma_wait3A_11 = arith.constant 0 : i32
      %dma_wait3A_12 = tpu.memref_slice %arg4[%mul3A_2, %dma_wait3A_11] : memref<4096x128xf32, #tpu.memory_space<hbm>> -> memref<128x128xf32, #tpu.memory_space<hbm>>
      %dma_wait3A_13 = arith.constant 0 : i32
      %dma_wait3A_14 = tpu.memref_slice %arg4[%mul3A_2, %dma_wait3A_13] : memref<4096x128xf32, #tpu.memory_space<hbm>> -> memref<128x128xf32, #tpu.memory_space<hbm>>
      tpu.wait_dma2 semaphore(%run_scoped3A : memref<!tpu.dma_semaphore, #tpu.memory_space<semaphore_mem>>) src(%arg6 : memref<128x128xf32, #tpu.memory_space<vmem>>) dst(%dma_wait3A_14 : memref<128x128xf32, #tpu.memory_space<hbm>>)
      tpu.yield
    }) : () -> ()
    return
  }
}

#map = affine_map<(d0, d1) -> (0)>
#map1 = affine_map<(d0, d1) -> (0, 0)>
module attributes {stable_mosaic.version = 14 : i64} {
  func.func @gather_kernel(%arg0: i32, %arg1: i32, %arg2: memref<4096xi32, #tpu.memory_space<hbm>>, %arg3: memref<53248x128xf32, #tpu.memory_space<hbm>>, %arg4: memref<4096x128xf32, #tpu.memory_space<hbm>>, %arg5: memref<128xi32, #tpu.memory_space<vmem>>, %arg6: memref<128x128xf32, #tpu.memory_space<vmem>>, %arg7: memref<!tpu.dma_semaphore, #tpu.memory_space<semaphore_mem>>) attributes {dimension_semantics = [#tpu.dimension_semantics<core_parallel>, #tpu.dimension_semantics<subcore_parallel>], iteration_bounds = array<i64: 2, 16>, scalar_prefetch = 0 : i64, scratch_operands = 3 : i64, tpu.core_type = #tpu.core_type<sc_vector_subcore>, window_params = [{transform_indices = #map}, {transform_indices = #map1}, {transform_indices = #map1}]} {
    %mul3A = arith.constant 2 : i32
    %mul3A_0 = arith.muli %arg1, %mul3A : i32
    %add3A = arith.addi %mul3A_0, %arg0 : i32
    %mul3A_1 = arith.constant 128 : i32
    %mul3A_2 = arith.muli %add3A, %mul3A_1 : i32
    "tpu.region"() ({
      %run_scoped3A = tpu.sem_alloc : memref<!tpu.dma_semaphore, #tpu.memory_space<semaphore_mem>>
      %dma_start3A_7 = tpu.memref_slice %arg2[%mul3A_2] : memref<4096xi32, #tpu.memory_space<hbm>> -> memref<128xi32, #tpu.memory_space<hbm>>
      %dma_start3A_8 = tpu.memref_slice %arg2[%mul3A_2] : memref<4096xi32, #tpu.memory_space<hbm>> -> memref<128xi32, #tpu.memory_space<hbm>>
      tpu.enqueue_dma source(%dma_start3A_8 : memref<128xi32, #tpu.memory_space<hbm>>) target(%arg5 : memref<128xi32, #tpu.memory_space<vmem>>) target_semaphore(%run_scoped3A : memref<!tpu.dma_semaphore, #tpu.memory_space<semaphore_mem>>)
      %dma_wait3A_9 = tpu.memref_slice %arg2[%mul3A_2] : memref<4096xi32, #tpu.memory_space<hbm>> -> memref<128xi32, #tpu.memory_space<hbm>>
      %dma_wait3A_10 = tpu.memref_slice %arg2[%mul3A_2] : memref<4096xi32, #tpu.memory_space<hbm>> -> memref<128xi32, #tpu.memory_space<hbm>>
      tpu.wait_dma2 semaphore(%run_scoped3A : memref<!tpu.dma_semaphore, #tpu.memory_space<semaphore_mem>>) src(%dma_wait3A_10 : memref<128xi32, #tpu.memory_space<hbm>>) dst(%arg5 : memref<128xi32, #tpu.memory_space<vmem>>)
      tpu.yield
    }) : () -> ()
    %dma_start3A = arith.constant 0 : i32
    %dma_start3A_3 = arith.constant 0 : i32
    %dma_start3A_4 = tpu.memref_slice %arg3[%dma_start3A, %dma_start3A_3] : memref<53248x128xf32, #tpu.memory_space<hbm>> -> memref<53248x128xf32, #tpu.memory_space<hbm>>
    tpu.enqueue_indirect_dma source(%dma_start3A_4 : memref<53248x128xf32, #tpu.memory_space<hbm>>) target(%arg6 : memref<128x128xf32, #tpu.memory_space<vmem>>) offsets(%arg5 : memref<128xi32, #tpu.memory_space<vmem>>) semaphore(%arg7 : memref<!tpu.dma_semaphore, #tpu.memory_space<semaphore_mem>>)
    %dma_wait3A = arith.constant 0 : i32
    %dma_wait3A_5 = arith.constant 0 : i32
    %dma_wait3A_6 = tpu.memref_slice %arg3[%dma_wait3A, %dma_wait3A_5] : memref<53248x128xf32, #tpu.memory_space<hbm>> -> memref<53248x128xf32, #tpu.memory_space<hbm>>
    tpu.wait_indirect_dma semaphore(%arg7 : memref<!tpu.dma_semaphore, #tpu.memory_space<semaphore_mem>>) src(%dma_wait3A_6 : memref<53248x128xf32, #tpu.memory_space<hbm>>) dst(%arg6 : memref<128x128xf32, #tpu.memory_space<vmem>>)
    "tpu.region"() ({
      %run_scoped3A = tpu.sem_alloc : memref<!tpu.dma_semaphore, #tpu.memory_space<semaphore_mem>>
      %dma_start3A_7 = arith.constant 0 : i32
      %dma_start3A_8 = tpu.memref_slice %arg4[%mul3A_2, %dma_start3A_7] : memref<4096x128xf32, #tpu.memory_space<hbm>> -> memref<128x128xf32, #tpu.memory_space<hbm>>
      %dma_start3A_9 = arith.constant 0 : i32
      %dma_start3A_10 = tpu.memref_slice %arg4[%mul3A_2, %dma_start3A_9] : memref<4096x128xf32, #tpu.memory_space<hbm>> -> memref<128x128xf32, #tpu.memory_space<hbm>>
      tpu.enqueue_dma source(%arg6 : memref<128x128xf32, #tpu.memory_space<vmem>>) target(%dma_start3A_10 : memref<128x128xf32, #tpu.memory_space<hbm>>) target_semaphore(%run_scoped3A : memref<!tpu.dma_semaphore, #tpu.memory_space<semaphore_mem>>)
      %dma_wait3A_11 = arith.constant 0 : i32
      %dma_wait3A_12 = tpu.memref_slice %arg4[%mul3A_2, %dma_wait3A_11] : memref<4096x128xf32, #tpu.memory_space<hbm>> -> memref<128x128xf32, #tpu.memory_space<hbm>>
      %dma_wait3A_13 = arith.constant 0 : i32
      %dma_wait3A_14 = tpu.memref_slice %arg4[%mul3A_2, %dma_wait3A_13] : memref<4096x128xf32, #tpu.memory_space<hbm>> -> memref<128x128xf32, #tpu.memory_space<hbm>>
      tpu.wait_dma2 semaphore(%run_scoped3A : memref<!tpu.dma_semaphore, #tpu.memory_space<semaphore_mem>>) src(%arg6 : memref<128x128xf32, #tpu.memory_space<vmem>>) dst(%dma_wait3A_14 : memref<128x128xf32, #tpu.memory_space<hbm>>)
      tpu.yield
    }) : () -> ()
    return
  }
}

module attributes {stable_mosaic.version = 14 : i64} {
  func.func @_pack_body(%arg0: i32, %arg1: memref<64x8192xf32, #tpu.memory_space<vmem>>, %arg2: memref<128x128xf32, #tpu.memory_space<vmem>>, %arg3: memref<4096x128xf32, #tpu.memory_space<vmem>>) attributes {dimension_semantics = [#tpu.dimension_semantics<arbitrary>], iteration_bounds = array<i64: 13>, scalar_prefetch = 0 : i64, scratch_operands = 0 : i64, tpu.core_type = #tpu.core_type<tc>, window_params = [{transform_indices = @transform_0, window_bounds = array<i64: 64, 8192>}, {pipeline_mode = #tpu.pipeline_mode<synchronous>, transform_indices = @transform_1, window_bounds = array<i64: 128, 128>}, {transform_indices = @transform_2, window_bounds = array<i64: 4096, 128>}]} {
    %get3A = arith.constant 0 : index
    %get3A_0 = arith.constant 0 : index
    %get3A_1 = vector.load %arg1[%get3A, %get3A_0] : memref<64x8192xf32, #tpu.memory_space<vmem>>, vector<64x8192xf32>
    %mul3A = arith.constant 8192 : i32
    %mul3A_2 = arith.muli %arg0, %mul3A : i32
    %iota3A = tpu.iota {dimensions = array<i32: 1>} : vector<64x8192xi32>
    %add3A = vector.broadcast %mul3A_2 : i32 to vector<64x8192xi32>
    %add3A_3 = arith.addi %add3A, %iota3A : vector<64x8192xi32>
    %lt3A = arith.constant 100000 : i32
    %lt3A_4 = vector.broadcast %lt3A : i32 to vector<64x8192xi32>
    %lt3A_5 = arith.cmpi slt, %add3A_3, %lt3A_4 : vector<64x8192xi32>
    %jit3A = arith.constant 0.000000e+00 : f32
    %broadcast_in_dim3A = vector.broadcast %jit3A : f32 to vector<64x8192xf32>
    %select_n3A = arith.select %lt3A_5, %get3A_1, %broadcast_in_dim3A : vector<64x8192xi1>, vector<64x8192xf32>
    %slice3A = vector.extract_strided_slice %select_n3A {offsets = [0, 0], sizes = [64, 4096], strides = [1, 1]} : vector<64x8192xf32> to vector<64x4096xf32>
    %slice3A_6 = vector.extract_strided_slice %select_n3A {offsets = [0, 4096], sizes = [64, 4096], strides = [1, 1]} : vector<64x8192xf32> to vector<64x4096xf32>
    %concatenate3A = tpu.concatenate %slice3A, %slice3A_6 in 0 : vector<64x4096xf32>, vector<64x4096xf32> -> vector<128x4096xf32>
    %get3A_7 = arith.constant 0 : index
    %get3A_8 = arith.constant 0 : index
    %get3A_9 = vector.load %arg2[%get3A_7, %get3A_8] : memref<128x128xf32, #tpu.memory_space<vmem>>, vector<128x128xf32>
    %dot_general3A = arith.constant dense<0.000000e+00> : vector<4096x128xf32>
    %dot_general3A_10 = tpu.matmul %concatenate3A, %get3A_9, %dot_general3A {dimension_numbers = #tpu.dot_dimension_numbers<[0], [0], [1], [1], [0, 1, 1, 1], [], []>, transpose_lhs_hint = false} : vector<128x4096xf32>, vector<128x128xf32>, vector<4096x128xf32> -> vector<4096x128xf32>
    %swap3A = arith.constant 0 : index
    %swap3A_11 = arith.constant 0 : index
    %swap3A_12 = vector.load %arg3[%swap3A, %swap3A_11] : memref<4096x128xf32, #tpu.memory_space<vmem>>, vector<4096x128xf32>
    tpu.vector_store %arg3[%swap3A, %swap3A_11], %dot_general3A_10 {strides = array<i32>} : memref<4096x128xf32, #tpu.memory_space<vmem>>, vector<4096x128xf32>,
    return
  }
  func.func @transform_0(%arg0: i32) -> (i32, i32) {
    %c0_i32 = arith.constant 0 : i32
    %c0_i32_0 = arith.constant 0 : i32
    return %c0_i32, %arg0 : i32, i32
  }
  func.func @transform_1(%arg0: i32) -> (i32, i32) {
    %c0_i32 = arith.constant 0 : i32
    %c0_i32_0 = arith.constant 0 : i32
    %c0_i32_1 = arith.constant 0 : i32
    return %c0_i32, %c0_i32_0 : i32, i32
  }
  func.func @transform_2(%arg0: i32) -> (i32, i32) {
    %c0_i32 = arith.constant 0 : i32
    %c0_i32_0 = arith.constant 0 : i32
    return %arg0, %c0_i32 : i32, i32
  }
}

module attributes {stable_mosaic.version = 14 : i64} {
  func.func @_dense_body(%arg0: i32, %arg1: memref<8x4096xf32, #tpu.memory_space<vmem>>, %arg2: memref<8x4096xf32, #tpu.memory_space<vmem>>, %arg3: memref<64x4096xf32, #tpu.memory_space<vmem>>, %arg4: memref<64x4096xf32, #tpu.memory_space<vmem>>, %arg5: memref<1x4096xf32, #tpu.memory_space<vmem>>, %arg6: memref<1x4096xf32, #tpu.memory_space<vmem>>, %arg7: memref<8x64x4096xf32, #tpu.memory_space<vmem>>) attributes {dimension_semantics = [#tpu.dimension_semantics<arbitrary>], iteration_bounds = array<i64: 8>, scalar_prefetch = 0 : i64, scratch_operands = 0 : i64, tpu.core_type = #tpu.core_type<tc>, window_params = [{transform_indices = @transform_0, window_bounds = array<i64: 8, 4096>}, {transform_indices = @transform_1, window_bounds = array<i64: 8, 4096>}, {transform_indices = @transform_2, window_bounds = array<i64: 64, 4096>}, {transform_indices = @transform_3, window_bounds = array<i64: 64, 4096>}, {pipeline_mode = #tpu.pipeline_mode<synchronous>, transform_indices = @transform_4, window_bounds = array<i64: 1, 4096>}, {pipeline_mode = #tpu.pipeline_mode<synchronous>, transform_indices = @transform_5, window_bounds = array<i64: 1, 4096>}, {transform_indices = @transform_6, window_bounds = array<i64: 8, 64, 4096>}]} {
    %get3A = arith.constant 0 : index
    %get3A_0 = arith.constant 0 : index
    %get3A_1 = vector.load %arg5[%get3A, %get3A_0] : memref<1x4096xf32, #tpu.memory_space<vmem>>, vector<1x4096xf32>
    %get3A_2 = arith.constant 0 : index
    %get3A_3 = arith.constant 0 : index
    %get3A_4 = vector.load %arg6[%get3A_2, %get3A_3] : memref<1x4096xf32, #tpu.memory_space<vmem>>, vector<1x4096xf32>
    %get3A_5 = arith.constant 0 : index
    %get3A_6 = arith.constant 0 : index
    %get3A_7 = vector.load %arg1[%get3A_5, %get3A_6] : memref<8x4096xf32, #tpu.memory_space<vmem>>, vector<8x4096xf32>
    %sub3A = arith.constant 1.000000e+00 : f32
    %sub3A_8 = vector.broadcast %sub3A : f32 to vector<1x4096xf32>
    %sub3A_9 = arith.subf %sub3A_8, %get3A_1 : vector<1x4096xf32>
    %mul3A = vector.broadcast %sub3A_9 : vector<1x4096xf32> to vector<8x4096xf32>
    %mul3A_10 = arith.mulf %get3A_7, %mul3A : vector<8x4096xf32>
    %get3A_11 = arith.constant 0 : index
    %get3A_12 = arith.constant 0 : index
    %get3A_13 = vector.load %arg2[%get3A_11, %get3A_12] : memref<8x4096xf32, #tpu.memory_space<vmem>>, vector<8x4096xf32>
    %mul3A_14 = vector.broadcast %get3A_1 : vector<1x4096xf32> to vector<8x4096xf32>
    %mul3A_15 = arith.mulf %get3A_13, %mul3A_14 : vector<8x4096xf32>
    %add3A = arith.addf %mul3A_10, %mul3A_15 : vector<8x4096xf32>
    %get3A_16 = arith.constant 0 : index
    %get3A_17 = arith.constant 0 : index
    %get3A_18 = vector.load %arg3[%get3A_16, %get3A_17] : memref<64x4096xf32, #tpu.memory_space<vmem>>, vector<64x4096xf32>
    %sub3A_19 = arith.constant 1.000000e+00 : f32
    %sub3A_20 = vector.broadcast %sub3A_19 : f32 to vector<1x4096xf32>
    %sub3A_21 = arith.subf %sub3A_20, %get3A_4 : vector<1x4096xf32>
    %mul3A_22 = vector.broadcast %sub3A_21 : vector<1x4096xf32> to vector<64x4096xf32>
    %mul3A_23 = arith.mulf %get3A_18, %mul3A_22 : vector<64x4096xf32>
    %get3A_24 = arith.constant 0 : index
    %get3A_25 = arith.constant 0 : index
    %get3A_26 = vector.load %arg4[%get3A_24, %get3A_25] : memref<64x4096xf32, #tpu.memory_space<vmem>>, vector<64x4096xf32>
    %mul3A_27 = vector.broadcast %get3A_4 : vector<1x4096xf32> to vector<64x4096xf32>
    %mul3A_28 = arith.mulf %get3A_26, %mul3A_27 : vector<64x4096xf32>
    %add3A_29 = arith.addf %mul3A_23, %mul3A_28 : vector<64x4096xf32>
    %broadcast_in_dim3A = vector.shape_cast %add3A : vector<8x4096xf32> to vector<8x1x4096xf32>
    %broadcast_in_dim3A_30 = vector.shape_cast %add3A_29 : vector<64x4096xf32> to vector<1x64x4096xf32>
    %mul3A_31 = vector.broadcast %broadcast_in_dim3A : vector<8x1x4096xf32> to vector<8x64x4096xf32>
    %mul3A_32 = vector.broadcast %broadcast_in_dim3A_30 : vector<1x64x4096xf32> to vector<8x64x4096xf32>
    %mul3A_33 = arith.mulf %mul3A_31, %mul3A_32 : vector<8x64x4096xf32>
    %mul3A_34 = arith.constant 5.000000e-01 : f32
    %mul3A_35 = vector.broadcast %mul3A_34 : f32 to vector<8x64x4096xf32>
    %mul3A_36 = arith.mulf %mul3A_35, %mul3A_33 : vector<8x64x4096xf32>
    %tanh3A = math.tanh %mul3A_36 : vector<8x64x4096xf32>
    %mul3A_37 = arith.constant 5.000000e-01 : f32
    %mul3A_38 = vector.broadcast %mul3A_37 : f32 to vector<8x64x4096xf32>
    %mul3A_39 = arith.mulf %mul3A_38, %tanh3A : vector<8x64x4096xf32>
    %add3A_40 = arith.constant 5.000000e-01 : f32
    %add3A_41 = vector.broadcast %add3A_40 : f32 to vector<8x64x4096xf32>
    %add3A_42 = arith.addf %mul3A_39, %add3A_41 : vector<8x64x4096xf32>
    %swap3A = arith.constant 0 : index
    %swap3A_43 = arith.constant 0 : index
    %swap3A_44 = arith.constant 0 : index
    %swap3A_45 = vector.load %arg7[%swap3A, %swap3A_43, %swap3A_44] : memref<8x64x4096xf32, #tpu.memory_space<vmem>>, vector<8x64x4096xf32>
    tpu.vector_store %arg7[%swap3A, %swap3A_43, %swap3A_44], %add3A_42 {strides = array<i32>} : memref<8x64x4096xf32, #tpu.memory_space<vmem>>, vector<8x64x4096xf32>,
    return
  }
  func.func @transform_0(%arg0: i32) -> (i32, i32) {
    %c0_i32 = arith.constant 0 : i32
    %c0_i32_0 = arith.constant 0 : i32
    return %arg0, %c0_i32 : i32, i32
  }
  func.func @transform_1(%arg0: i32) -> (i32, i32) {
    %add3A = arith.constant 8 : i32
    %add3A_0 = arith.addi %arg0, %add3A : i32
    %c0_i32 = arith.constant 0 : i32
    %c0_i32_1 = arith.constant 0 : i32
    return %add3A_0, %c0_i32 : i32, i32
  }
  func.func @transform_2(%arg0: i32) -> (i32, i32) {
    %c0_i32 = arith.constant 0 : i32
    %c0_i32_0 = arith.constant 0 : i32
    %c0_i32_1 = arith.constant 0 : i32
    return %c0_i32, %c0_i32_0 : i32, i32
  }
  func.func @transform_3(%arg0: i32) -> (i32, i32) {
    %c1_i32 = arith.constant 1 : i32
    %c0_i32 = arith.constant 0 : i32
    %c0_i32_0 = arith.constant 0 : i32
    return %c1_i32, %c0_i32 : i32, i32
  }
  func.func @transform_4(%arg0: i32) -> (i32, i32) {
    %c0_i32 = arith.constant 0 : i32
    %c0_i32_0 = arith.constant 0 : i32
    %c0_i32_1 = arith.constant 0 : i32
    return %c0_i32, %c0_i32_0 : i32, i32
  }
  func.func @transform_5(%arg0: i32) -> (i32, i32) {
    %c0_i32 = arith.constant 0 : i32
    %c0_i32_0 = arith.constant 0 : i32
    %c0_i32_1 = arith.constant 0 : i32
    return %c0_i32, %c0_i32_0 : i32, i32
  }
  func.func @transform_6(%arg0: i32) -> (i32, i32, i32) {
    %c0_i32 = arith.constant 0 : i32
    %c0_i32_0 = arith.constant 0 : i32
    %c0_i32_1 = arith.constant 0 : i32
    return %arg0, %c0_i32, %c0_i32_0 : i32, i32, i32
  }
}

</mosaic_0001>

<sc_bundles>
// kernel: kernel.10.cloned.1.call-start
scs
__scs_entry_jumppad:
0x0: {  	(pc) =	sbr.rel $0x88, $3  }
0x1: {  	(tag) =	ssettag $0x0;
	lr =	simm.s32 $0x1  }
0x2: {  	[smem:$0x3F9E] =	sst lr;
	_ =	strace $0xD0000000  }
0x3: {  	_ = 	snop  }
0x4: {  	_ = 	snop  }
0x5: {  	_ = 	snop  }
0x6: {  	_ = 	snop  }
0x7: {  	_ = 	snop  }
__scs_overlays_trampoline_lowered:
0x8: {  	[smem:$0x3FAD] =	sst s0  }
0x9: {  	[smem:$0x3FAE] =	sst s1  }
0xa: {  	[smem:$0x3FAF] =	sst s2  }
0xb: {  	[smem:$0x3FB0] =	sst s3  }
0xc: {  	[smem:$0x3FB1] =	sst s4  }
0xd: {  	[smem:$0x3FB2] =	sst s5  }
0xe: {  	[smem:$0x3FB3] =	sst s6  }
0xf: {  	[smem:$0x3FB4] =	sst s7  }
0x10: {  	[smem:$0x3FB5] =	sst s8  }
0x11: {  	[smem:$0x3FB6] =	sst s9;
	s0 =	simm.s32 @!p0 $0x0  }
0x12: {  	s1 =	sld [smem:$0x3F9C];
	s0 =	simm.s32 @p0 $0x1  }
0x13: {  	[smem:$0x3FB7] =	sst s0;
	s0 =	simm.s32 @!p1 $0x0  }
0x14: {  	s2 =	sld [smem:$0x3F9B];
	s0 =	simm.s32 @p1 $0x1  }
0x15: {  	[smem:$0x3FB8] =	sst s0;
	s0 =	simm.s32 @!p2 $0x0  }
0x16: {  	s3 =	sld [smem:$0x3FDB];
	s0 =	simm.s32 @p2 $0x1  }
0x17: {  	s4 =	simm.s32 $0x1BF5;
	[smem:$0x3FBA] =	sst s0  }
0x18: {  	s0 =	sld [smem:$0x3F9D];
	_ =	swait.ge [sflag:s4], $0x0  }
0x19: {  	s7 =	sld [smem:$0x3F9E]  }
0x1a: {  	s8 =	sadd.s32 $0xFFFFE003, lr  }
0x1b: {  	s9 =	sadd.s32 $0xFFFFFEF7, lr;
	s5 =	simm.s32 $0xFFFFFFFF;
	p2 =	slt.u32 s8, $0xFFFFF086  }
0x1c: {  	p1 =	slt.u32 s9, $0xF7A;
	s5 =	simm.s32 @!p2 $0x0  }
0x1d: {  	s5 =	simm.s32 @p1 $0x1;
	p0 =	seq.s32 s7, s2  }
0x1e: {  	s7 =	smul.u32 @!p0 $0xF7A, s2;
	p2 =	seq.s32 @!p0 s5, $0x0  }
0x1f: {  	s9 =	smul.u32 $0xF7A, s1;
	s8 =	simm.s32 @!p0 $0x1BF5;
	p2 =	por !p2, p0  }
0x20: {  	[sflag:s8] =	ssyncset.s32 @!p0 $0xFFFFF086;
	s6 =	sadd.s32 @!p0 s3, s7;
	s7 =	simm.s32 @!p0 $0x108  }
0x21: {  	s3 =	sadd.s32 s3, s9;
	s6 =	sadd.s32 @!p0 $0x88, s6;
	s7 =	simm.s32 @p2 $0x1082  }
0x22: {  	[simem:s7], [sflag:s8] =	dma.local @!p0 [hbm:s6], $0xF7A  }
0x23: {  	s9 =	sor.u32 $0xD0000000, s2;
	s6 =	simm.s32 $0x108;
	_ =	swait.ge @!p0 [sflag:s8], $0x0  }
0x24: {  	s3 =	sadd.s32 $0x88, s3;
	s6 =	simm.s32 @!p1 $0x1082;
	[sflag:s4] =	ssyncset.s32 $0xFFFFF086  }
0x25: {  	[simem:s6], [sflag:s4] =	dma.local [hbm:s3], $0xF7A  }
0x26: {  	[smem:$0x3F9E] =	sst s1;
	(tag) =	ssettag s2;
	_ =	strace s9  }
0x27: {  	s1 =	sld [smem:$0x3FAE]  }
0x28: {  	s2 =	sld [smem:$0x3FAF]  }
0x29: {  	s4 =	sld [smem:$0x3FB1]  }
0x2a: {  	p0 =	seq.s32 s5, $0x0;
	s5 =	sld [smem:$0x3FB2]  }
0x2b: {  	s6 =	sld [smem:$0x3FB3]  }
0x2c: {  	s7 =	sld [smem:$0x3FB4]  }
0x2d: {  	s3 =	simm.s32 $0x108;
	s8 =	sld [smem:$0x3FB5]  }
0x2e: {  	s3 =	simm.s32 @!p0 $0x1082;
	s9 =	sld [smem:$0x3FB6]  }
0x2f: {  	lr =	sadd.s32 s0, s3;
	s0 =	sld [smem:$0x3FAD]  }
0x30: {  	s3 =	sld [smem:$0x3FB0]  }
0x31: {  	[smem:$0x3FB9] =	sst s10  }
0x32: {  	s10 =	sld [smem:$0x3FB7];
	_ =	sdelay $0x3  }
0x33: {  	p0 =	seq.s32 s10, $0x1;
	s10 =	sld [smem:$0x3FB9];
	_ =	sdelay $0x3  }
0x34: {  	[smem:$0x3FB9] =	sst s10  }
0x35: {  	s10 =	sld [smem:$0x3FB8];
	_ =	sdelay $0x3  }
0x36: {  	p1 =	seq.s32 s10, $0x1;
	s10 =	sld [smem:$0x3FB9];
	_ =	sdelay $0x3  }
0x37: {  	[smem:$0x3FB9] =	sst s10  }
0x38: {  	s10 =	sld [smem:$0x3FBA]  }
0x39: {  	_ = 	snop;
	(pc) =	sbr.ind lr, $3  }
0x3a: {  	_ = 	snop  }
0x3b: {  	_ = 	snop  }
0x3c: {  	p2 =	seq.s32 s10, $0x1;
	s10 =	sld [smem:$0x3FB9]  }
0x3d: {  	_ =	shalt  }
0x3e: {  	_ =	shalt  }
0x3f: {  	_ =	shalt  }
0x40: {  	_ =	shalt  }
0x41: {  	_ =	shalt  }
0x42: {  	_ =	shalt  }
0x43: {  	_ =	shalt  }
0x44: {  	_ =	shalt  }
0x45: {  	_ =	shalt  }
0x46: {  	_ =	shalt  }
0x47: {  	_ =	shalt  }
0x48: {  	_ =	shalt  }
0x49: {  	_ =	shalt  }
0x4a: {  	_ =	shalt  }
0x4b: {  	_ =	shalt  }
0x4c: {  	_ =	shalt  }
0x4d: {  	_ =	shalt  }
0x4e: {  	_ =	shalt  }
0x4f: {  	_ =	shalt  }
0x50: {  	_ =	shalt  }
0x51: {  	_ =	shalt  }
0x52: {  	_ =	shalt  }
0x53: {  	_ =	shalt  }
0x54: {  	_ =	shalt  }
0x55: {  	_ =	shalt  }
0x56: {  	_ =	shalt  }
0x57: {  	_ =	shalt  }
0x58: {  	_ =	shalt  }
0x59: {  	_ =	shalt  }
0x5a: {  	_ =	shalt  }
0x5b: {  	_ =	shalt  }
0x5c: {  	_ =	shalt  }
0x5d: {  	_ =	shalt  }
0x5e: {  	_ =	shalt  }
0x5f: {  	_ =	shalt  }
0x60: {  	_ =	shalt  }
0x61: {  	_ =	shalt  }
0x62: {  	_ =	shalt  }
0x63: {  	_ =	shalt  }
0x64: {  	_ =	shalt  }
0x65: {  	_ =	shalt  }
0x66: {  	_ =	shalt  }
0x67: {  	_ =	shalt  }
0x68: {  	_ =	shalt  }
0x69: {  	_ =	shalt  }
0x6a: {  	_ =	shalt  }
0x6b: {  	_ =	shalt  }
0x6c: {  	_ =	shalt  }
0x6d: {  	_ =	shalt  }
0x6e: {  	_ =	shalt  }
0x6f: {  	_ =	shalt  }
0x70: {  	_ =	shalt  }
0x71: {  	_ =	shalt  }
0x72: {  	_ =	shalt  }
0x73: {  	_ =	shalt  }
0x74: {  	_ =	shalt  }
0x75: {  	_ =	shalt  }
0x76: {  	_ =	shalt  }
0x77: {  	_ =	shalt  }
0x78: {  	_ =	shalt  }
0x79: {  	_ =	shalt  }
0x7a: {  	_ =	shalt  }
0x7b: {  	_ =	shalt  }
0x7c: {  	_ =	shalt  }
0x7d: {  	_ =	shalt  }
0x7e: {  	_ =	shalt  }
0x7f: {  	_ =	shalt  }
0x80: {  	_ =	shalt  }
0x81: {  	_ =	shalt  }
0x82: {  	_ =	shalt  }
0x83: {  	_ =	shalt  }
0x84: {  	_ =	shalt  }
0x85: {  	_ =	shalt  }
0x86: {  	_ =	shalt  }
0x87: {  	_ =	shalt  }
.Lfunc_end0:
.L_simem_size_0:
called_computation.1_lowered:
.L_overlay_start_0:
0x88: {  	s2 =	sld [smem:$0x3FD9]  }
0x89: {  	s3 =	sld [smem:$0x3FFE];
	_ =	sdelay $0x1  }
0x8a: {  	s1 =	srdreg.scid  }
0x8b: {  	s0 =	sand.u32 $0x1, s1  }
0x8c: {  	s16 =	sshll.u32 s0, $0xA;
	s2 =	sadd.s32 s3, s2  }
0x8d: {  	s2 =	sadd.s32 s2, s16  }
0x8e: {  	[smem:$0x3FC5] =	sst s2  }
0x8f: {  	_ = 	snop  }
0x90: {  	(tm) =	ssettm $0x1  }
0x91: {  	s17 =	sld [smem:$0x3FFB];
	_ =	sdelay $0x3  }
0x92: {  	_ =	strace s17  }
0x93: {  	s2 =	sld [smem:$0x3FFC];
	_ =	sdelay $0x3  }
0x94: {  	_ =	strace s2  }
0x95: {  	s2 =	sld [smem:$0x3FFD];
	_ =	sdelay $0x3  }
0x96: {  	_ =	strace s2  }
0x97: {  	_ =	strace $0x8FFFFFFF  }
0x98: {  	s18 =	sld [smem:$0x3FDB];
	_ =	sdelay $0x1  }
0x99: {  	s19 =	simm.s32 $_scs_section_size  }
0x9a: {  	s4 =	simm.s32 $_size__tile_overlayer_lowered;
	s5 =	simm.s32 $_tile_overlayer_lowered  }
0x9b: {  	s22 =	simm.s32 $0x1BFF;
	s21 =	sshll.u32 s5, $0x1;
	s2 =	sadd.s32 s19, s18  }
0x9c: {  	s6 =	simm.s32 $0x0;
	s20 =	sshll.u32 s4, $0x1;
	s4 =	sadd.s32 s21, s2  }
0x9d: {  	[timem:s6], [sflag:s22] =	dma.local [hbm:s4], s20  }
0x9e: {  	_ =	swait.ge [sflag:s22], s20  }
0x9f: {  	s3 =	ssub.s32 $0x0, s20;
	[sflag:s22] =	ssyncset.done $0x0  }
0xa0: {  	[sflag:s22] =	ssyncadd.s32 s3;
	_ =	sdelay $0x1  }
0xa1: {  	s23 =	simm.s32 $0x1B8B  }
0xa2: {  	_ =	swait.ge [sflag:s23], $0x1  }
0xa3: {  	[sflag:s23] =	ssyncset.done $0x0  }
0xa4: {  	s25 =	simm.s32 $0x1B8E;
	s24 =	sld [smem:$0x3FFE];
	[sflag:s23] =	ssyncadd.s32 $0xFFFFFFFF  }
0xa5: {  	s26 =	simm.s32 $execute0_lowered;
	[smem:$0x3FD2] =	sst s25  }
0xa6: {  	s4 =	sshll.u32 s26, $0x1;
	_ =	strace $0x80000046;
	[dreg:$0x1] =	wrdreg $0xFFFFFFFF  }
0xa7: {  	s28 =	simm.s32 $_size_execute0_lowered;
	s2 =	sadd.s32 s2, s4;
	[dreg:$0x0] =	wrdreg $0x0  }
0xa8: {  	s4 =	sshll.u32 s28, $0x1;
	[dreg:$0x2] =	wrdreg s2  }
0xa9: {  	[dreg:$0x3] =	wrdreg s4  }
0xaa: {  	[dreg:$0x4] =	wrdreg $0xC0  }
0xab: {  	_ =	task [dreg:s6], $0x5FFFF  }
0xac: {  	[dreg:$0x1] =	wrdreg $0xFFFFFFFF  }
0xad: {  	[dreg:$0x0] =	wrdreg $0x60  }
0xae: {  	[dreg:$0x2] =	wrdreg s24  }
0xaf: {  	[dreg:$0x3] =	wrdreg $0xA  }
0xb0: {  	_ =	task.clear_ibuf [dreg:s6], $0x4FFFF;
	_ =	strace $0x90000046  }
0xb1: {  	s29 =	simm.s32 $0xA;
	_ =	strace $0x80000048  }
0xb2: {  	_ =	swait.ge [sflag:s29], $0x1  }
0xb3: {  	[sflag:s29] =	ssyncadd.s32 $0xFFFFFFFF  }
0xb4: {  	_ =	strace $0x90000048  }
0xb5: {  	_ =	sfence  }
0xb6: {  	s30 =	sld [smem:$0x0];
	_ =	sdelay $0x2  }
0xb7: {  	s31 =	sshll.u32 s1, $0xD;
	s1 =	sshrl.u32 s1, $0x2  }
0xb8: {  	s3 =	sand.u32 $0x4000, s31;
	s1 =	sadd.s32 s1, s30  }
0xb9: {  	s0 =	sor.u32 s3, s0;
	s1 =	sshll.u32 s1, $0x11  }
0xba: {  	s0 =	sor.u32 s1, s0  }
0xbb: {  	s0 =	sadd.s32 $0x8F2B, s0  }
0xbc: {  	[sflag:s0] =	ssyncadd.remote.s32 $0x1  }
0xbd: {  	_ =	sfence.sel $0xFFFF  }
0xbe: {  	[dreg:$0x0] =	wrdreg $0xFFFFFFFF;
	(pc) =	sbr.abs _section_cstart, $3  }
0xbf: {  	[dreg:$0x1] =	wrdreg $0xFFFFFFFF  }
0xc0: {  	_ =	task.clear_ibuf [dreg:s6], $0x2FFFF;
	_ =	strace $0x9FFFFFFF  }
0xc1: {  	(tm) =	ssettm $0x7FFFFFFF  }
tec
execute0_lowered:
.L_overlay_start_1:
0x0: {  	(tag) =	ssettag $0x1  }
0x1: {  	s1 =	srdreg.scid  }
0x2: {  	s0 =	stileid.u32;
	s6 =	sand.u32 $0x1, s1  }
0x3: {  	s8 =	rddreg [dreg:$0x0];
	s30 =	sshll.u32 s0, $0x8;
	s2 =	sshll.u32 s6, $0x7  }
0x4: {  	s7 =	simm.s32 $0x1;
	s1 =	rddreg [dreg:$0x1];
	s9 =	sor.u32 s2, s30  }
0x5: {  	s5 =	sadd.s32 $0x1000, s8;
	s2 =	simm.s32 $0x0;
	s3 =	sshrl.u32 s9, $0x3  }
0x6: {  	s10 =	ssub.s32 $0x2, s6;
	[smem:$0x7FF] =	sst s2;
	s3 =	sadd.s32 s3, s8  }
0x7: {  	_ =	strace $0x80000047;
	s4 =	sadd.s32 $0xE00, s3;
	s3 =	simm.s32 $0x2  }
0x8: {  	[tilespmem:s2], [sflag:$0x2] =	stream.linear.gather [hbm4b:s4+s2], $0x80, $0x38;
	[tilespmem:$0x4080] =	vst v63  }
0x9: {  	s6 =	simm.s32 $0x80;
	s11 =	sshrl.u32 s10, $0x1;
	_ =	swait.ge [sflag:s3], $0x80  }
0xa: {  	s9 =	sshll.u32 s9, $0x4;
	s31 =	ssub.s32 s10, s11;
	[sflag:s3] =	ssyncset.done $0x0  }
0xb: {  	s8 =	sadd.s32 s9, s8;
	s9 =	smax.u32 s31, $0x1;
	[sflag:s3] =	ssyncadd.s32 $0xFFFFFF80  }
0xc: {  	[tilespmem:s6], [sflag:$0x1] =	stream.indirect.gather [hbm4b:s5+s6], $0x80, s2, s6, $0xb8;
	[tilespmem:$0x4080] =	vst v63  }
0xd: {  	p0 =	sne.s32 s9, $0x1;
	_ =	swait.ge [sflag:s7], $0x4000  }
.Ltmp0:
0xe: {  	[sflag:s7] =	ssyncset.done $0x0;
	(pc) =	sbr.rel @!p0 .LBB2_2-.Ltmp0, $4  }
0xf: {  	s8 =	sadd.s32 $0xD1000, s8;
	[sflag:s7] =	ssyncadd.s32 $0xFFFFC000  }
0x10: {  	[hbm4b:s8+s2] =	stream.linear.scatter [tilespmem:s6], [sflag:$0x2], $0x4000, $0x38;
	[tilespmem:$0x4080] =	vst v63  }
0x11: {  	_ =	swait.ge [sflag:s3], $0x4000  }
0x12: {  	s9 =	sadd.s32 $0xFFFFFFFF, s9;
	[sflag:s3] =	ssyncset.done $0x0  }
.LBB2_1:
0x13: {  	p0 =	sne.s32 s9, $0x1;
	s9 =	sadd.s32 $0xFFFFFFFF, s9;
	[sflag:s3] =	ssyncadd.s32 $0xFFFFC000  }
0x14: {  	[tilespmem:s2], [sflag:$0x2] =	stream.linear.gather [hbm4b:s4+s2], $0x80, $0x38;
	[tilespmem:$0x4080] =	vst v63  }
0x15: {  	_ =	swait.ge [sflag:s3], $0x80  }
0x16: {  	[sflag:s3] =	ssyncset.done $0x0  }
0x17: {  	[sflag:s3] =	ssyncadd.s32 $0xFFFFFF80  }
0x18: {  	[tilespmem:s6], [sflag:$0x1] =	stream.indirect.gather [hbm4b:s5+s6], $0x80, s2, s6, $0xb8;
	[tilespmem:$0x4080] =	vst v63  }
0x19: {  	_ =	swait.ge [sflag:s7], $0x4000  }
.Ltmp1:
0x1a: {  	[sflag:s7] =	ssyncset.done $0x0;
	(pc) =	sbr.rel @p0 .LBB2_1-.Ltmp1, $4  }
0x1b: {  	[sflag:s7] =	ssyncadd.s32 $0xFFFFC000  }
0x1c: {  	[hbm4b:s8+s2] =	stream.linear.scatter [tilespmem:s6], [sflag:$0x2], $0x4000, $0x38;
	[tilespmem:$0x4080] =	vst v63  }
0x1d: {  	_ =	swait.ge [sflag:s3], $0x4000  }
0x1e: {  	[sflag:s3] =	ssyncset.done $0x0  }
.LBB2_2:
0x1f: {  	[sflag:s3] =	ssyncadd.s32 $0xFFFFC000  }
0x20: {  	_ =	sfence.sel $0x180000  }
0x21: {  	[bflag:$0x0] =	sbarrier.arrive $0xFFFF  }
0x22: {  	p0 =	sne.s32 s0, $0x0;
	_ =	strace $0x90000047  }
0x23: {  	s0 =	sadd.s32 @!p0 $0x100000, s1;
	[bflag:$0x2] =	sbarrier.arrive $0xFFFF  }
0x24: {  	[sflag:s0] =	ssyncadd.tile.s32 @!p0 $0x1;
	_ =	shalt  }
.Lfunc_end2:
_tile_overlayer_lowered:
.L_overlay_start_2:
0x25: {  	(tag) =	ssettag $0x2  }
0x26: {  	s0 =	rddreg [dreg:$0x0];
	s2 =	stileid.u32  }
0x27: {  	s1 =	rddreg [dreg:$0x1];
	p0 =	sne.s32 s2, $0x0  }
0x28: {  	s3 =	rddreg [dreg:$0x2];
	[bflag:$0x3] =	sbarrier.arrive $0xFFFF;
	s2 =	simm.s32 @!p0 $0x1C02  }
0x29: {  	[timem:s3], [sflag:s2] =	dma.local @!p0 [hbm:s0], s1  }
0x2a: {  	s0 =	simm.s32 @!p0 $0x2  }
0x2b: {  	_ =	swait.ge @!p0 [sflag:s0], s1  }
0x2c: {  	s1 =	ssub.s32 @!p0 $0x0, s1;
	[sflag:s0] =	ssyncset.done @!p0 $0x0  }
0x2d: {  	[sflag:s0] =	ssyncadd.s32 @!p0 s1  }
0x2e: {  	[bflag:$0x3] =	sbarrier.arrive $0xFFFF  }
0x2f: {  	_ =	shalt  }

// kernel: kernel.7.cloned.1.call-start
scs
__scs_entry_jumppad:
0x0: {  	(pc) =	sbr.rel $0x88, $3  }
0x1: {  	(tag) =	ssettag $0x0;
	lr =	simm.s32 $0x1  }
0x2: {  	[smem:$0x3F9E] =	sst lr;
	_ =	strace $0xD0000000  }
0x3: {  	_ = 	snop  }
0x4: {  	_ = 	snop  }
0x5: {  	_ = 	snop  }
0x6: {  	_ = 	snop  }
0x7: {  	_ = 	snop  }
__scs_overlays_trampoline_lowered:
0x8: {  	[smem:$0x3FAD] =	sst s0  }
0x9: {  	[smem:$0x3FAE] =	sst s1  }
0xa: {  	[smem:$0x3FAF] =	sst s2  }
0xb: {  	[smem:$0x3FB0] =	sst s3  }
0xc: {  	[smem:$0x3FB1] =	sst s4  }
0xd: {  	[smem:$0x3FB2] =	sst s5  }
0xe: {  	[smem:$0x3FB3] =	sst s6  }
0xf: {  	[smem:$0x3FB4] =	sst s7  }
0x10: {  	[smem:$0x3FB5] =	sst s8  }
0x11: {  	[smem:$0x3FB6] =	sst s9;
	s0 =	simm.s32 @!p0 $0x0  }
0x12: {  	s1 =	sld [smem:$0x3F9C];
	s0 =	simm.s32 @p0 $0x1  }
0x13: {  	[smem:$0x3FB7] =	sst s0;
	s0 =	simm.s32 @!p1 $0x0  }
0x14: {  	s2 =	sld [smem:$0x3F9B];
	s0 =	simm.s32 @p1 $0x1  }
0x15: {  	[smem:$0x3FB8] =	sst s0;
	s0 =	simm.s32 @!p2 $0x0  }
0x16: {  	s3 =	sld [smem:$0x3FDB];
	s0 =	simm.s32 @p2 $0x1  }
0x17: {  	s4 =	simm.s32 $0x1BF5;
	[smem:$0x3FBA] =	sst s0  }
0x18: {  	s0 =	sld [smem:$0x3F9D];
	_ =	swait.ge [sflag:s4], $0x0  }
0x19: {  	s7 =	sld [smem:$0x3F9E]  }
0x1a: {  	s8 =	sadd.s32 $0xFFFFE003, lr  }
0x1b: {  	s9 =	sadd.s32 $0xFFFFFEF7, lr;
	s5 =	simm.s32 $0xFFFFFFFF;
	p2 =	slt.u32 s8, $0xFFFFF086  }
0x1c: {  	p1 =	slt.u32 s9, $0xF7A;
	s5 =	simm.s32 @!p2 $0x0  }
0x1d: {  	s5 =	simm.s32 @p1 $0x1;
	p0 =	seq.s32 s7, s2  }
0x1e: {  	s7 =	smul.u32 @!p0 $0xF7A, s2;
	p2 =	seq.s32 @!p0 s5, $0x0  }
0x1f: {  	s9 =	smul.u32 $0xF7A, s1;
	s8 =	simm.s32 @!p0 $0x1BF5;
	p2 =	por !p2, p0  }
0x20: {  	[sflag:s8] =	ssyncset.s32 @!p0 $0xFFFFF086;
	s6 =	sadd.s32 @!p0 s3, s7;
	s7 =	simm.s32 @!p0 $0x108  }
0x21: {  	s3 =	sadd.s32 s3, s9;
	s6 =	sadd.s32 @!p0 $0x88, s6;
	s7 =	simm.s32 @p2 $0x1082  }
0x22: {  	[simem:s7], [sflag:s8] =	dma.local @!p0 [hbm:s6], $0xF7A  }
0x23: {  	s9 =	sor.u32 $0xD0000000, s2;
	s6 =	simm.s32 $0x108;
	_ =	swait.ge @!p0 [sflag:s8], $0x0  }
0x24: {  	s3 =	sadd.s32 $0x88, s3;
	s6 =	simm.s32 @!p1 $0x1082;
	[sflag:s4] =	ssyncset.s32 $0xFFFFF086  }
0x25: {  	[simem:s6], [sflag:s4] =	dma.local [hbm:s3], $0xF7A  }
0x26: {  	[smem:$0x3F9E] =	sst s1;
	(tag) =	ssettag s2;
	_ =	strace s9  }
0x27: {  	s1 =	sld [smem:$0x3FAE]  }
0x28: {  	s2 =	sld [smem:$0x3FAF]  }
0x29: {  	s4 =	sld [smem:$0x3FB1]  }
0x2a: {  	p0 =	seq.s32 s5, $0x0;
	s5 =	sld [smem:$0x3FB2]  }
0x2b: {  	s6 =	sld [smem:$0x3FB3]  }
0x2c: {  	s7 =	sld [smem:$0x3FB4]  }
0x2d: {  	s3 =	simm.s32 $0x108;
	s8 =	sld [smem:$0x3FB5]  }
0x2e: {  	s3 =	simm.s32 @!p0 $0x1082;
	s9 =	sld [smem:$0x3FB6]  }
0x2f: {  	lr =	sadd.s32 s0, s3;
	s0 =	sld [smem:$0x3FAD]  }
0x30: {  	s3 =	sld [smem:$0x3FB0]  }
0x31: {  	[smem:$0x3FB9] =	sst s10  }
0x32: {  	s10 =	sld [smem:$0x3FB7];
	_ =	sdelay $0x3  }
0x33: {  	p0 =	seq.s32 s10, $0x1;
	s10 =	sld [smem:$0x3FB9];
	_ =	sdelay $0x3  }
0x34: {  	[smem:$0x3FB9] =	sst s10  }
0x35: {  	s10 =	sld [smem:$0x3FB8];
	_ =	sdelay $0x3  }
0x36: {  	p1 =	seq.s32 s10, $0x1;
	s10 =	sld [smem:$0x3FB9];
	_ =	sdelay $0x3  }
0x37: {  	[smem:$0x3FB9] =	sst s10  }
0x38: {  	s10 =	sld [smem:$0x3FBA]  }
0x39: {  	_ = 	snop;
	(pc) =	sbr.ind lr, $3  }
0x3a: {  	_ = 	snop  }
0x3b: {  	_ = 	snop  }
0x3c: {  	p2 =	seq.s32 s10, $0x1;
	s10 =	sld [smem:$0x3FB9]  }
0x3d: {  	_ =	shalt  }
0x3e: {  	_ =	shalt  }
0x3f: {  	_ =	shalt  }
0x40: {  	_ =	shalt  }
0x41: {  	_ =	shalt  }
0x42: {  	_ =	shalt  }
0x43: {  	_ =	shalt  }
0x44: {  	_ =	shalt  }
0x45: {  	_ =	shalt  }
0x46: {  	_ =	shalt  }
0x47: {  	_ =	shalt  }
0x48: {  	_ =	shalt  }
0x49: {  	_ =	shalt  }
0x4a: {  	_ =	shalt  }
0x4b: {  	_ =	shalt  }
0x4c: {  	_ =	shalt  }
0x4d: {  	_ =	shalt  }
0x4e: {  	_ =	shalt  }
0x4f: {  	_ =	shalt  }
0x50: {  	_ =	shalt  }
0x51: {  	_ =	shalt  }
0x52: {  	_ =	shalt  }
0x53: {  	_ =	shalt  }
0x54: {  	_ =	shalt  }
0x55: {  	_ =	shalt  }
0x56: {  	_ =	shalt  }
0x57: {  	_ =	shalt  }
0x58: {  	_ =	shalt  }
0x59: {  	_ =	shalt  }
0x5a: {  	_ =	shalt  }
0x5b: {  	_ =	shalt  }
0x5c: {  	_ =	shalt  }
0x5d: {  	_ =	shalt  }
0x5e: {  	_ =	shalt  }
0x5f: {  	_ =	shalt  }
0x60: {  	_ =	shalt  }
0x61: {  	_ =	shalt  }
0x62: {  	_ =	shalt  }
0x63: {  	_ =	shalt  }
0x64: {  	_ =	shalt  }
0x65: {  	_ =	shalt  }
0x66: {  	_ =	shalt  }
0x67: {  	_ =	shalt  }
0x68: {  	_ =	shalt  }
0x69: {  	_ =	shalt  }
0x6a: {  	_ =	shalt  }
0x6b: {  	_ =	shalt  }
0x6c: {  	_ =	shalt  }
0x6d: {  	_ =	shalt  }
0x6e: {  	_ =	shalt  }
0x6f: {  	_ =	shalt  }
0x70: {  	_ =	shalt  }
0x71: {  	_ =	shalt  }
0x72: {  	_ =	shalt  }
0x73: {  	_ =	shalt  }
0x74: {  	_ =	shalt  }
0x75: {  	_ =	shalt  }
0x76: {  	_ =	shalt  }
0x77: {  	_ =	shalt  }
0x78: {  	_ =	shalt  }
0x79: {  	_ =	shalt  }
0x7a: {  	_ =	shalt  }
0x7b: {  	_ =	shalt  }
0x7c: {  	_ =	shalt  }
0x7d: {  	_ =	shalt  }
0x7e: {  	_ =	shalt  }
0x7f: {  	_ =	shalt  }
0x80: {  	_ =	shalt  }
0x81: {  	_ =	shalt  }
0x82: {  	_ =	shalt  }
0x83: {  	_ =	shalt  }
0x84: {  	_ =	shalt  }
0x85: {  	_ =	shalt  }
0x86: {  	_ =	shalt  }
0x87: {  	_ =	shalt  }
.Lfunc_end0:
.L_simem_size_0:
called_computation_lowered:
.L_overlay_start_0:
0x88: {  	s2 =	sld [smem:$0x3FD9]  }
0x89: {  	s3 =	sld [smem:$0x3FFE];
	_ =	sdelay $0x1  }
0x8a: {  	s1 =	srdreg.scid  }
0x8b: {  	s0 =	sand.u32 $0x1, s1  }
0x8c: {  	s17 =	sshll.u32 s0, $0xA;
	s2 =	sadd.s32 s3, s2  }
0x8d: {  	s2 =	sadd.s32 s2, s17  }
0x8e: {  	[smem:$0x3FC5] =	sst s2  }
0x8f: {  	_ = 	snop  }
0x90: {  	s18 =	sld [smem:$0x3FD0];
	(tm) =	ssettm $0x1  }
0x91: {  	s19 =	sld [smem:$0x3FFB];
	_ =	sdelay $0x3  }
0x92: {  	_ =	strace s19  }
0x93: {  	s2 =	sld [smem:$0x3FFC];
	_ =	sdelay $0x3  }
0x94: {  	_ =	strace s2  }
0x95: {  	s2 =	sld [smem:$0x3FFD];
	_ =	sdelay $0x3  }
0x96: {  	_ =	strace s2  }
0x97: {  	_ =	strace $0x8FFFFFFF  }
0x98: {  	s20 =	sld [smem:$0x3FDB];
	_ =	sdelay $0x1  }
0x99: {  	s4 =	simm.s32 $_scs_section_size  }
0x9a: {  	s5 =	simm.s32 $_size__tile_overlayer_lowered;
	s6 =	simm.s32 $_tile_overlayer_lowered  }
0x9b: {  	s7 =	simm.s32 $0x1BFF;
	s21 =	sshll.u32 s6, $0x1;
	s4 =	sadd.s32 s4, s20  }
0x9c: {  	s22 =	simm.s32 $0x0;
	s5 =	sshll.u32 s5, $0x1;
	s6 =	sadd.s32 s21, s4  }
0x9d: {  	[timem:s22], [sflag:s7] =	dma.local [hbm:s6], s5  }
0x9e: {  	_ =	swait.ge [sflag:s7], s5  }
0x9f: {  	s5 =	ssub.s32 $0x0, s5;
	[sflag:s7] =	ssyncset.done $0x0  }
0xa0: {  	[sflag:s7] =	ssyncadd.s32 s5;
	_ =	sdelay $0x1  }
0xa1: {  	s23 =	simm.s32 $0x1B8B  }
0xa2: {  	_ =	swait.ge [sflag:s23], $0x1  }
0xa3: {  	[sflag:s23] =	ssyncset.done $0x0  }
0xa4: {  	[sflag:s23] =	ssyncadd.s32 $0xFFFFFFFF  }
0xa5: {  	s5 =	sld [smem:$0x0]  }
0xa6: {  	s6 =	sand.u32 $0xFFFFFFFE, s1  }
0xa7: {  	p0 =	sne.s32 s1, s6  }
0xa8: {  	s6 =	sshll.u32 @p0 s6, $0xE  }
0xa9: {  	s6 =	sadd.s32 @p0 $0x11B8D, s6;
	s7 =	sshll.u32 @p0 s5, $0x11  }
0xaa: {  	s6 =	sor.u32 @p0 s7, s6  }
0xab: {  	[sflag:s6] =	ssyncadd.remote.s32 @p0 $0x1;
	_ =	sdelay $0x1  }
0xac: {  	s6 =	simm.s32 @p0 $0x1B8D  }
0xad: {  	_ =	swait.eq @p0 [sflag:s6], $0x1  }
0xae: {  	[sflag:s6] =	ssyncadd.s32 @p0 $0xFFFFFFFF  }
0xaf: {  	s7 =	sshll.u32 @!p0 s1, $0xE  }
0xb0: {  	s7 =	sor.u32 @!p0 $0x4000, s7;
	s6 =	simm.s32 @!p0 $0x1B8D  }
0xb1: {  	s5 =	sshll.u32 @!p0 s5, $0x11;
	s7 =	sadd.s32 @!p0 $0x11B8D, s7;
	_ =	swait.eq @!p0 [sflag:s6], $0x1  }
0xb2: {  	s5 =	sor.u32 @!p0 s5, s7;
	[sflag:s6] =	ssyncadd.s32 @!p0 $0xFFFFFFFF  }
0xb3: {  	s25 =	simm.s32 $0x1B8E;
	s24 =	sld [smem:$0x3FFE];
	[sflag:s5] =	ssyncadd.remote.s32 @!p0 $0x1  }
0xb4: {  	s26 =	simm.s32 $execute0_lowered;
	[smem:$0x3FD2] =	sst s25  }
0xb5: {  	s6 =	sshll.u32 s26, $0x1;
	_ =	strace $0x80000049;
	[dreg:$0x1] =	wrdreg $0xFFFFFFFF  }
0xb6: {  	s28 =	simm.s32 $_size_execute0_lowered;
	s4 =	sadd.s32 s4, s6;
	[dreg:$0x0] =	wrdreg $0x0  }
0xb7: {  	s6 =	sshll.u32 s28, $0x1;
	[dreg:$0x2] =	wrdreg s4  }
0xb8: {  	[dreg:$0x3] =	wrdreg s6  }
0xb9: {  	[dreg:$0x4] =	wrdreg $0xC0  }
0xba: {  	_ =	task [dreg:s22], $0x5FFFF  }
0xbb: {  	[dreg:$0x1] =	wrdreg $0xFFFFFFFF  }
0xbc: {  	[dreg:$0x0] =	wrdreg $0x60  }
0xbd: {  	[dreg:$0x2] =	wrdreg s24  }
0xbe: {  	[dreg:$0x3] =	wrdreg s18  }
0xbf: {  	[dreg:$0x4] =	wrdreg $0x9  }
0xc0: {  	_ =	task.clear_ibuf [dreg:s22], $0x5FFFF;
	_ =	strace $0x90000049  }
0xc1: {  	s29 =	simm.s32 $0x9;
	_ =	strace $0x8000004B  }
0xc2: {  	_ =	swait.ge [sflag:s29], $0x1  }
0xc3: {  	[sflag:s29] =	ssyncadd.s32 $0xFFFFFFFF  }
0xc4: {  	_ =	strace $0x9000004B  }
0xc5: {  	_ =	sfence  }
0xc6: {  	s30 =	sld [smem:$0x0];
	_ =	sdelay $0x2  }
0xc7: {  	s31 =	sshll.u32 s1, $0xD;
	s1 =	sshrl.u32 s1, $0x2  }
0xc8: {  	s4 =	sand.u32 $0x4000, s31;
	s1 =	sadd.s32 s1, s30  }
0xc9: {  	s0 =	sor.u32 s4, s0;
	s1 =	sshll.u32 s1, $0x11  }
0xca: {  	s0 =	sor.u32 s1, s0  }
0xcb: {  	s0 =	sadd.s32 $0x8F2B, s0  }
0xcc: {  	[sflag:s0] =	ssyncadd.remote.s32 $0x1  }
0xcd: {  	_ =	sfence.sel $0xFFFF  }
0xce: {  	[dreg:$0x0] =	wrdreg $0xFFFFFFFF;
	(pc) =	sbr.abs _section_cstart, $3  }
0xcf: {  	[dreg:$0x1] =	wrdreg $0xFFFFFFFF  }
0xd0: {  	_ =	task.clear_ibuf [dreg:s22], $0x2FFFF;
	_ =	strace $0x9FFFFFFF  }
0xd1: {  	(tm) =	ssettm $0x7FFFFFFF  }
tec
execute0_lowered:
.L_overlay_start_1:
0x0: {  	(tag) =	ssettag $0x1  }
0x1: {  	s1 =	srdreg.scid  }
0x2: {  	s0 =	stileid.u32;
	s6 =	sand.u32 $0x1, s1  }
0x3: {  	s8 =	rddreg [dreg:$0x0];
	s30 =	sshll.u32 s0, $0x8;
	s3 =	sshll.u32 s6, $0x7  }
0x4: {  	s2 =	rddreg [dreg:$0x1];
	s7 =	simm.s32 $0x1;
	s9 =	sor.u32 s3, s30  }
0x5: {  	s1 =	rddreg [dreg:$0x2];
	s3 =	simm.s32 $0x0;
	s4 =	sshrl.u32 s9, $0x3  }
0x6: {  	s10 =	ssub.s32 $0x2, s6;
	[smem:$0x7FF] =	sst s3;
	s4 =	sadd.s32 s4, s8  }
0x7: {  	_ =	strace $0x8000004A;
	s5 =	sadd.s32 $0xE1000, s4;
	s4 =	simm.s32 $0x2  }
0x8: {  	[tilespmem:s3], [sflag:$0x2] =	stream.linear.gather [hbm4b:s5+s3], $0x80, $0x38;
	[tilespmem:$0x4080] =	vst v63  }
0x9: {  	s6 =	simm.s32 $0x80;
	s11 =	sshrl.u32 s10, $0x1;
	_ =	swait.ge [sflag:s4], $0x80  }
0xa: {  	s9 =	sshll.u32 s9, $0x4;
	s31 =	ssub.s32 s10, s11;
	[sflag:s4] =	ssyncset.done $0x0  }
0xb: {  	s8 =	sadd.s32 s9, s8;
	s9 =	smax.u32 s31, $0x1;
	[sflag:s4] =	ssyncadd.s32 $0xFFFFFF80  }
0xc: {  	[tilespmem:s6], [sflag:$0x1] =	stream.indirect.gather [hbm4b:s2+s6], $0x80, s3, s6, $0xb8;
	[tilespmem:$0x4080] =	vst v63  }
0xd: {  	p0 =	sne.s32 s9, $0x1;
	_ =	swait.ge [sflag:s7], $0x4000  }
.Ltmp0:
0xe: {  	[sflag:s7] =	ssyncset.done $0x0;
	(pc) =	sbr.rel @!p0 .LBB2_2-.Ltmp0, $4  }
0xf: {  	s8 =	sadd.s32 $0xE1200, s8;
	[sflag:s7] =	ssyncadd.s32 $0xFFFFC000  }
0x10: {  	[hbm4b:s8+s3] =	stream.linear.scatter [tilespmem:s6], [sflag:$0x2], $0x4000, $0x38;
	[tilespmem:$0x4080] =	vst v63  }
0x11: {  	_ =	swait.ge [sflag:s4], $0x4000  }
0x12: {  	s9 =	sadd.s32 $0xFFFFFFFF, s9;
	[sflag:s4] =	ssyncset.done $0x0  }
.LBB2_1:
0x13: {  	p0 =	sne.s32 s9, $0x1;
	s9 =	sadd.s32 $0xFFFFFFFF, s9;
	[sflag:s4] =	ssyncadd.s32 $0xFFFFC000  }
0x14: {  	[tilespmem:s3], [sflag:$0x2] =	stream.linear.gather [hbm4b:s5+s3], $0x80, $0x38;
	[tilespmem:$0x4080] =	vst v63  }
0x15: {  	_ =	swait.ge [sflag:s4], $0x80  }
0x16: {  	[sflag:s4] =	ssyncset.done $0x0  }
0x17: {  	[sflag:s4] =	ssyncadd.s32 $0xFFFFFF80  }
0x18: {  	[tilespmem:s6], [sflag:$0x1] =	stream.indirect.gather [hbm4b:s2+s6], $0x80, s3, s6, $0xb8;
	[tilespmem:$0x4080] =	vst v63  }
0x19: {  	_ =	swait.ge [sflag:s7], $0x4000  }
.Ltmp1:
0x1a: {  	[sflag:s7] =	ssyncset.done $0x0;
	(pc) =	sbr.rel @p0 .LBB2_1-.Ltmp1, $4  }
0x1b: {  	[sflag:s7] =	ssyncadd.s32 $0xFFFFC000  }
0x1c: {  	[hbm4b:s8+s3] =	stream.linear.scatter [tilespmem:s6], [sflag:$0x2], $0x4000, $0x38;
	[tilespmem:$0x4080] =	vst v63  }
0x1d: {  	_ =	swait.ge [sflag:s4], $0x4000  }
0x1e: {  	[sflag:s4] =	ssyncset.done $0x0  }
.LBB2_2:
0x1f: {  	[sflag:s4] =	ssyncadd.s32 $0xFFFFC000  }
0x20: {  	_ =	sfence.sel $0x180000  }
0x21: {  	[bflag:$0x0] =	sbarrier.arrive $0xFFFF  }
0x22: {  	p0 =	sne.s32 s0, $0x0;
	_ =	strace $0x9000004A  }
0x23: {  	s0 =	sadd.s32 @!p0 $0x100000, s1;
	[bflag:$0x2] =	sbarrier.arrive $0xFFFF  }
0x24: {  	[sflag:s0] =	ssyncadd.tile.s32 @!p0 $0x1;
	_ =	shalt  }
.Lfunc_end2:
_tile_overlayer_lowered:
.L_overlay_start_2:
0x25: {  	(tag) =	ssettag $0x2  }
0x26: {  	s0 =	rddreg [dreg:$0x0];
	s2 =	stileid.u32  }
0x27: {  	s1 =	rddreg [dreg:$0x1];
	p0 =	sne.s32 s2, $0x0  }
0x28: {  	s3 =	rddreg [dreg:$0x2];
	[bflag:$0x3] =	sbarrier.arrive $0xFFFF;
	s2 =	simm.s32 @!p0 $0x1C02  }
0x29: {  	[timem:s3], [sflag:s2] =	dma.local @!p0 [hbm:s0], s1  }
0x2a: {  	s0 =	simm.s32 @!p0 $0x2  }
0x2b: {  	_ =	swait.ge @!p0 [sflag:s0], s1  }
0x2c: {  	s1 =	ssub.s32 @!p0 $0x0, s1;
	[sflag:s0] =	ssyncset.done @!p0 $0x0  }
0x2d: {  	[sflag:s0] =	ssyncadd.s32 @!p0 s1  }
0x2e: {  	[bflag:$0x3] =	sbarrier.arrive $0xFFFF  }
0x2f: {  	_ =	shalt  }

</sc_bundles>
